<compile_context>
chip_gen: v7x
topology: tpu7x:2x2x1
jax: 0.10.2.dev20260603
libtpu: 0.0.44.dev20260713+nightly
codegen_flags: <defaults>
</compile_context>

<pallas_src>
import functools

import jax
import jax.numpy as jnp
from jax import lax
from jax.experimental import pallas as pl
from jax.experimental.pallas import tpu as pltpu
from jax.experimental.pallas import tpu_sc as plsc

EPS = 1e-05
NC, NS, L = 2, 16, 16
NW = NC * NS
BG = 5120
NPAD = 10240

BLK = 128


def _rowsums_body(h_ref, s_ref, q_ref):
    hb = h_ref[...]
    s_ref[...] = jnp.sum(hb, axis=1)
    q_ref[...] = jnp.sum(hb * hb, axis=1)


def _norm_body(h_ref, ps_ref, pq_ref, pd_ref, gamma_ref, beta_ref, out_ref):
    hb = h_ref[...]
    d = hb.shape[1]
    ones_m = jnp.ones((8, NW), jnp.float32)
    nb_s = jax.lax.dot(ones_m, ps_ref[...],
                       preferred_element_type=jnp.float32)[0]
    nb_q = jax.lax.dot(ones_m, pq_ref[...],
                       preferred_element_type=jnp.float32)[0]
    deg = jax.lax.dot(ones_m, pd_ref[...],
                      preferred_element_type=jnp.float32)[0]
    total_sum = nb_s + jnp.sum(hb, axis=1)
    total_sq = nb_q + jnp.sum(hb * hb, axis=1)
    n_elem = (deg + 1.0) * d
    mean = total_sum / n_elem
    var = (total_sq - n_elem * mean * mean) / (n_elem - 1.0)
    std = jnp.sqrt(jnp.maximum(var, 0.0))
    has_msg = deg > 0
    mean = jnp.where(has_msg, mean, 0.0)
    std = jnp.where(has_msg, std, 0.0)
    norm_h = (hb - mean[:, None]) / (std[:, None] + EPS)
    out_ref[...] = gamma_ref[...] * norm_h + beta_ref[...]


def _make_sc_agg(n_nodes, n_edges):
    nblk = n_edges // BLK
    blk_lo = nblk // NW
    n_hi = nblk - blk_lo * NW
    nw_lo = NW - n_hi
    e_lo = blk_lo * BLK
    e_hi = e_lo + BLK

    mesh = plsc.VectorSubcoreMesh(core_axis_name="c", subcore_axis_name="s")
    fdt = jax.ShapeDtypeStruct((NW, NPAD), jnp.float32)

    @functools.partial(
        pl.kernel,
        out_type=(fdt, fdt, fdt),
        mesh=mesh,
        compiler_params=pltpu.CompilerParams(needs_layout_passes=False),
        scratch_types=[
            pltpu.VMEM((n_nodes,), jnp.float32),
            pltpu.VMEM((n_nodes,), jnp.float32),
            pltpu.VMEM((NPAD,), jnp.float32),
            pltpu.VMEM((NPAD,), jnp.float32),
            pltpu.VMEM((NPAD,), jnp.float32),
            pltpu.VMEM((2, e_hi), jnp.int32),
            pltpu.SemaphoreType.DMA,
            pltpu.SemaphoreType.DMA,
            pltpu.SemaphoreType.DMA,
        ],
    )
    def sc_agg(s_hbm, q_hbm, ei_hbm, os_hbm, oq_hbm, od_hbm,
               s_v, q_v, acc_s, acc_q, acc_d, ei_v,
               sem0, sem1, sem2):
        wid = lax.axis_index("c") * NS + lax.axis_index("s")
        is_hi = wid >= nw_lo
        base = jnp.where(is_hi,
                         nw_lo * e_lo + (wid - nw_lo) * e_hi,
                         wid * e_lo)
        cp0 = pltpu.async_copy(s_hbm, s_v, sem0)
        cp1 = pltpu.async_copy(q_hbm, q_v, sem1)
        cp2 = pltpu.async_copy(ei_hbm.at[:, pl.ds(base, e_lo)],
                               ei_v.at[:, pl.ds(0, e_lo)], sem2)

        zeros = jnp.zeros((L,), jnp.float32)

        @plsc.parallel_loop(0, NPAD // L, step=1, unroll=2)
        def zero_body(i):
            b = i * L
            acc_s[pl.ds(b, L)] = zeros
            acc_q[pl.ds(b, L)] = zeros
            acc_d[pl.ds(b, L)] = zeros

        cp0.wait()
        cp1.wait()
        cp2.wait()

        @pl.when(is_hi)
        def _tail_dma():
            pltpu.sync_copy(ei_hbm.at[:, pl.ds(base + e_lo, BLK)],
                            ei_v.at[:, pl.ds(e_lo, BLK)])

        ones = jnp.ones((L,), jnp.float32)

        def _process(b):
            si = ei_v[0, pl.ds(b, L)]
            di = ei_v[1, pl.ds(b, L)]
            sv = plsc.load_gather(s_v, [si])
            qv = plsc.load_gather(q_v, [si])
            plsc.addupdate_scatter(acc_s, [di], sv)
            plsc.addupdate_scatter(acc_q, [di], qv)
            plsc.addupdate_scatter(acc_d, [di], ones)

        @plsc.parallel_loop(0, e_lo, step=L, unroll=8)
        def edge_body(b):
            _process(b)

        @pl.when(is_hi)
        def _tail_edges():
            @plsc.parallel_loop(e_lo, e_hi, step=L, unroll=1)
            def tail_body(b):
                _process(b)

        pltpu.sync_copy(acc_s, os_hbm.at[wid])
        pltpu.sync_copy(acc_q, oq_hbm.at[wid])
        pltpu.sync_copy(acc_d, od_hbm.at[wid])

    return sc_agg


def kernel(h, edge_index, gamma, beta):
    n, d = h.shape
    e = edge_index.shape[1]

    g = pl.cdiv(n, BG)
    s, q = pl.pallas_call(
        _rowsums_body,
        grid=(g,),
        in_specs=[pl.BlockSpec((BG, d), lambda i: (i, 0))],
        out_specs=(
            pl.BlockSpec((BG,), lambda i: (i,)),
            pl.BlockSpec((BG,), lambda i: (i,)),
        ),
        out_shape=(
            jax.ShapeDtypeStruct((n,), jnp.float32),
            jax.ShapeDtypeStruct((n,), jnp.float32),
        ),
    )(h)

    ps, pq, pd = _make_sc_agg(n, e)(s, q, edge_index)

    part_spec = pl.BlockSpec((NW, BG), lambda i: (0, i))
    vec_spec = pl.BlockSpec((d,), lambda i: (0,))
    out = pl.pallas_call(
        _norm_body,
        grid=(g,),
        in_specs=[
            pl.BlockSpec((BG, d), lambda i: (i, 0)),
            part_spec, part_spec, part_spec,
            vec_spec, vec_spec,
        ],
        out_specs=pl.BlockSpec((BG, d), lambda i: (i, 0)),
        out_shape=jax.ShapeDtypeStruct((n, d), h.dtype),
    )(h, ps, pq, pd, gamma, beta)
    return out

# --- scband reference (transcript-rebuilt; emitter-appended) ---
"""Pipeline reference for scband-adja-node-norm-11209864643249 (READ-ONLY COPY).

The authoritative reference and input builder live on the scoring server;
editing this copy changes nothing except your own understanding.
"""

import jax, jax.numpy as jnp
import numpy as np

N_NODES = 10000
N_EDGES = 320000
D = 128
EPS = 1e-05


def setup_inputs(seed: int = 0) -> dict:
    key = jax.random.key(seed)
    k1, k2 = jax.random.split(key)
    h = jax.random.normal(k1, (N_NODES, D), dtype=jnp.float32)
    edge_index = jax.random.randint(k2, (2, N_EDGES), 0, N_NODES)
    gamma = jnp.ones((D,), dtype=jnp.float32)
    beta = jnp.zeros((D,), dtype=jnp.float32)
    return {"h": h, "edge_index": edge_index, "gamma": gamma, "beta": beta}


def reference(h, edge_index, gamma, beta):
    # AdjaNodeNorm: for each node i, collect messages h_src from in-neighbors,
    # concat with own feature h_i, take mean and (unbiased) std over the
    # (deg_i + 1) * D elements, and normalize h_i with them.
    src = edge_index[0]
    dst = edge_index[1]
    N, d = h.shape
    # message: gather source node features along edges
    msg = jnp.take(h, src, axis=0)  # [E, d]
    # scatter-add aggregation to destination nodes
    sum_nb = jax.ops.segment_sum(msg, dst, num_segments=N)          # [N, d]
    sq_nb = jax.ops.segment_sum(msg * msg, dst, num_segments=N)     # [N, d]
    deg = jax.ops.segment_sum(jnp.ones((src.shape[0],), dtype=h.dtype), dst, num_segments=N)  # [N]
    # include the node's own feature (the src_h.unsqueeze(1) concat in reduce_func)
    total_sum = sum_nb.sum(axis=1) + h.sum(axis=1)                  # [N]
    total_sq = sq_nb.sum(axis=1) + (h * h).sum(axis=1)              # [N]
    n_elem = (deg + 1.0) * d
    mean = total_sum / n_elem
    # torch.std over dims (1,2) uses the unbiased estimator (divide by n-1)
    var = (total_sq - n_elem * mean * mean) / (n_elem - 1.0)
    std = jnp.sqrt(jnp.maximum(var, 0.0))
    # DGL update_all zero-fills reduced fields for nodes with no incoming messages
    has_msg = deg > 0
    mean = jnp.where(has_msg, mean, 0.0)
    std = jnp.where(has_msg, std, 0.0)
    norm_h = (h - mean[:, None]) / (std[:, None] + EPS)
    return gamma * norm_h + beta

if __name__ == "__main__":
    import jax
    _d = setup_inputs()
    print(jax.jit(kernel)(*tuple(_d.values())))

</pallas_src>

<mosaic_0001>
#map = affine_map<(d0, d1) -> (0)>
#map1 = affine_map<(d0, d1) -> (0, 0)>
module attributes {stable_mosaic.version = 14 : i64} {
  func.func @sc_agg(%arg0: i32, %arg1: i32, %arg2: memref<10000xf32, #tpu.memory_space<hbm>>, %arg3: memref<10000xf32, #tpu.memory_space<hbm>>, %arg4: memref<2x320000xi32, #tpu.memory_space<hbm>>, %arg5: memref<32x10240xf32, #tpu.memory_space<hbm>>, %arg6: memref<32x10240xf32, #tpu.memory_space<hbm>>, %arg7: memref<32x10240xf32, #tpu.memory_space<hbm>>, %arg8: memref<10000xf32, #tpu.memory_space<vmem>>, %arg9: memref<10000xf32, #tpu.memory_space<vmem>>, %arg10: memref<10240xf32, #tpu.memory_space<vmem>>, %arg11: memref<10240xf32, #tpu.memory_space<vmem>>, %arg12: memref<10240xf32, #tpu.memory_space<vmem>>, %arg13: memref<2x10112xi32, #tpu.memory_space<vmem>>, %arg14: memref<!tpu.dma_semaphore, #tpu.memory_space<semaphore_mem>>, %arg15: memref<!tpu.dma_semaphore, #tpu.memory_space<semaphore_mem>>, %arg16: memref<!tpu.dma_semaphore, #tpu.memory_space<semaphore_mem>>) attributes {dimension_semantics = [#tpu.dimension_semantics<core_parallel>, #tpu.dimension_semantics<subcore_parallel>], iteration_bounds = array<i64: 2, 16>, scalar_prefetch = 0 : i64, scratch_operands = 9 : i64, tpu.core_type = #tpu.core_type<sc_vector_subcore>, window_params = [{transform_indices = #map}, {transform_indices = #map}, {transform_indices = #map1}, {transform_indices = #map1}, {transform_indices = #map1}, {transform_indices = #map1}]} {
    %mul3A = arith.constant 16 : i32
    %mul3A_0 = arith.muli %arg0, %mul3A : i32
    %add3A = arith.addi %mul3A_0, %arg1 : i32
    %ge3A = arith.constant 28 : i32
    %ge3A_1 = arith.cmpi sge, %add3A, %ge3A : i32
    %sub3A = arith.constant 28 : i32
    %sub3A_2 = arith.subi %add3A, %sub3A : i32
    %mul3A_3 = arith.constant 10112 : i32
    %mul3A_4 = arith.muli %sub3A_2, %mul3A_3 : i32
    %add3A_5 = arith.constant 279552 : i32
    %add3A_6 = arith.addi %add3A_5, %mul3A_4 : i32
    %mul3A_7 = arith.constant 9984 : i32
    %mul3A_8 = arith.muli %add3A, %mul3A_7 : i32
    %select_n3A = arith.select %ge3A_1, %add3A_6, %mul3A_8 : i32
    tpu.enqueue_dma source(%arg2 : memref<10000xf32, #tpu.memory_space<hbm>>) target(%arg8 : memref<10000xf32, #tpu.memory_space<vmem>>) target_semaphore(%arg14 : memref<!tpu.dma_semaphore, #tpu.memory_space<semaphore_mem>>)
    tpu.enqueue_dma source(%arg3 : memref<10000xf32, #tpu.memory_space<hbm>>) target(%arg9 : memref<10000xf32, #tpu.memory_space<vmem>>) target_semaphore(%arg15 : memref<!tpu.dma_semaphore, #tpu.memory_space<semaphore_mem>>)
    %dma_start3A = arith.constant 0 : i32
    %dma_start3A_9 = arith.constant 0 : i32
    %dma_start3A_10 = tpu.memref_slice %arg13[%dma_start3A, %dma_start3A_9] : memref<2x10112xi32, #tpu.memory_space<vmem>> -> memref<2x9984xi32, #tpu.memory_space<vmem>>
    %dma_start3A_11 = arith.constant 0 : i32
    %dma_start3A_12 = tpu.memref_slice %arg4[%dma_start3A_11, %select_n3A] : memref<2x320000xi32, #tpu.memory_space<hbm>> -> memref<2x9984xi32, #tpu.memory_space<hbm>>
    %dma_start3A_13 = arith.constant 0 : i32
    %dma_start3A_14 = arith.constant 0 : i32
    %dma_start3A_15 = tpu.memref_slice %arg13[%dma_start3A_13, %dma_start3A_14] : memref<2x10112xi32, #tpu.memory_space<vmem>> -> memref<2x9984xi32, #tpu.memory_space<vmem>>
    %dma_start3A_16 = arith.constant 0 : i32
    %dma_start3A_17 = tpu.memref_slice %arg4[%dma_start3A_16, %select_n3A] : memref<2x320000xi32, #tpu.memory_space<hbm>> -> memref<2x9984xi32, #tpu.memory_space<hbm>>
    tpu.enqueue_dma source(%dma_start3A_17 : memref<2x9984xi32, #tpu.memory_space<hbm>>) target(%dma_start3A_15 : memref<2x9984xi32, #tpu.memory_space<vmem>>) target_semaphore(%arg16 : memref<!tpu.dma_semaphore, #tpu.memory_space<semaphore_mem>>)
    %broadcast_in_dim3A = arith.constant 0.000000e+00 : f32
    %broadcast_in_dim3A_18 = vector.broadcast %broadcast_in_dim3A : f32 to vector<16xf32>
    %parallel_loop3A = arith.constant 0 : i32
    %parallel_loop3A_19 = arith.constant 640 : i32
    %parallel_loop3A_20 = arith.constant 1 : i32
    scf.for %parallel_loop3A_39 = %parallel_loop3A to %parallel_loop3A_19 step %parallel_loop3A_20  : i32 {
      %parallel_loop3A_40 = arith.constant 16 : i32
      %parallel_loop3A_41 = arith.muli %parallel_loop3A_39, %parallel_loop3A_40 : i32
      %parallel_loop3A_42 = arith.index_cast %parallel_loop3A_41 : i32 to index
      %parallel_loop3A_43 = tpu.vector_load %arg10[%parallel_loop3A_42] {strides = array<i32>} : memref<10240xf32, #tpu.memory_space<vmem>>, vector<16xf32>,
      tpu.vector_store %arg10[%parallel_loop3A_42], %broadcast_in_dim3A_18 {strides = array<i32>} : memref<10240xf32, #tpu.memory_space<vmem>>, vector<16xf32>,
      %parallel_loop3A_44 = arith.index_cast %parallel_loop3A_41 : i32 to index
      %parallel_loop3A_45 = tpu.vector_load %arg11[%parallel_loop3A_44] {strides = array<i32>} : memref<10240xf32, #tpu.memory_space<vmem>>, vector<16xf32>,
      tpu.vector_store %arg11[%parallel_loop3A_44], %broadcast_in_dim3A_18 {strides = array<i32>} : memref<10240xf32, #tpu.memory_space<vmem>>, vector<16xf32>,
      %parallel_loop3A_46 = arith.index_cast %parallel_loop3A_41 : i32 to index
      %parallel_loop3A_47 = tpu.vector_load %arg12[%parallel_loop3A_46] {strides = array<i32>} : memref<10240xf32, #tpu.memory_space<vmem>>, vector<16xf32>,
      tpu.vector_store %arg12[%parallel_loop3A_46], %broadcast_in_dim3A_18 {strides = array<i32>} : memref<10240xf32, #tpu.memory_space<vmem>>, vector<16xf32>,
    } {sc.loop_unroll_factor = 2 : i64, sc.parallel_access}
    tpu.wait_dma2 semaphore(%arg14 : memref<!tpu.dma_semaphore, #tpu.memory_space<semaphore_mem>>) src(%arg2 : memref<10000xf32, #tpu.memory_space<hbm>>) dst(%arg8 : memref<10000xf32, #tpu.memory_space<vmem>>)
    tpu.wait_dma2 semaphore(%arg15 : memref<!tpu.dma_semaphore, #tpu.memory_space<semaphore_mem>>) src(%arg3 : memref<10000xf32, #tpu.memory_space<hbm>>) dst(%arg9 : memref<10000xf32, #tpu.memory_space<vmem>>)
    %dma_wait3A = arith.constant 0 : i32
    %dma_wait3A_21 = arith.constant 0 : i32
    %dma_wait3A_22 = tpu.memref_slice %arg13[%dma_wait3A, %dma_wait3A_21] : memref<2x10112xi32, #tpu.memory_space<vmem>> -> memref<2x9984xi32, #tpu.memory_space<vmem>>
    %dma_wait3A_23 = arith.constant 0 : i32
    %dma_wait3A_24 = tpu.memref_slice %arg4[%dma_wait3A_23, %select_n3A] : memref<2x320000xi32, #tpu.memory_space<hbm>> -> memref<2x9984xi32, #tpu.memory_space<hbm>>
    %dma_wait3A_25 = arith.constant 0 : i32
    %dma_wait3A_26 = arith.constant 0 : i32
    %dma_wait3A_27 = tpu.memref_slice %arg13[%dma_wait3A_25, %dma_wait3A_26] : memref<2x10112xi32, #tpu.memory_space<vmem>> -> memref<2x9984xi32, #tpu.memory_space<vmem>>
    %dma_wait3A_28 = arith.constant 0 : i32
    %dma_wait3A_29 = tpu.memref_slice %arg4[%dma_wait3A_28, %select_n3A] : memref<2x320000xi32, #tpu.memory_space<hbm>> -> memref<2x9984xi32, #tpu.memory_space<hbm>>
    tpu.wait_dma2 semaphore(%arg16 : memref<!tpu.dma_semaphore, #tpu.memory_space<semaphore_mem>>) src(%dma_wait3A_29 : memref<2x9984xi32, #tpu.memory_space<hbm>>) dst(%dma_wait3A_27 : memref<2x9984xi32, #tpu.memory_space<vmem>>)
    %convert_element_type3A = arith.extui %ge3A_1 : i1 to i32
    %cond3A = arith.constant 0 : i32
    %cond3A_30 = arith.cmpi ne, %convert_element_type3A, %cond3A : i32
    scf.if %cond3A_30 {
      %add3A_39 = arith.constant 9984 : i32
      %add3A_40 = arith.addi %select_n3A, %add3A_39 : i32
      "tpu.region"() ({
        %run_scoped3A = tpu.sem_alloc : memref<!tpu.dma_semaphore, #tpu.memory_space<semaphore_mem>>
        %dma_start3A_41 = arith.constant 0 : i32
        %dma_start3A_42 = arith.constant 9984 : i32
        %dma_start3A_43 = tpu.memref_slice %arg13[%dma_start3A_41, %dma_start3A_42] : memref<2x10112xi32, #tpu.memory_space<vmem>> -> memref<2x128xi32, #tpu.memory_space<vmem>>
        %dma_start3A_44 = arith.constant 0 : i32
        %dma_start3A_45 = tpu.memref_slice %arg4[%dma_start3A_44, %add3A_40] : memref<2x320000xi32, #tpu.memory_space<hbm>> -> memref<2x128xi32, #tpu.memory_space<hbm>>
        %dma_start3A_46 = arith.constant 0 : i32
        %dma_start3A_47 = arith.constant 9984 : i32
        %dma_start3A_48 = tpu.memref_slice %arg13[%dma_start3A_46, %dma_start3A_47] : memref<2x10112xi32, #tpu.memory_space<vmem>> -> memref<2x128xi32, #tpu.memory_space<vmem>>
        %dma_start3A_49 = arith.constant 0 : i32
        %dma_start3A_50 = tpu.memref_slice %arg4[%dma_start3A_49, %add3A_40] : memref<2x320000xi32, #tpu.memory_space<hbm>> -> memref<2x128xi32, #tpu.memory_space<hbm>>
        tpu.enqueue_dma source(%dma_start3A_50 : memref<2x128xi32, #tpu.memory_space<hbm>>) target(%dma_start3A_48 : memref<2x128xi32, #tpu.memory_space<vmem>>) target_semaphore(%run_scoped3A : memref<!tpu.dma_semaphore, #tpu.memory_space<semaphore_mem>>)
        %dma_wait3A_51 = arith.constant 0 : i32
        %dma_wait3A_52 = arith.constant 9984 : i32
        %dma_wait3A_53 = tpu.memref_slice %arg13[%dma_wait3A_51, %dma_wait3A_52] : memref<2x10112xi32, #tpu.memory_space<vmem>> -> memref<2x128xi32, #tpu.memory_space<vmem>>
        %dma_wait3A_54 = arith.constant 0 : i32
        %dma_wait3A_55 = tpu.memref_slice %arg4[%dma_wait3A_54, %add3A_40] : memref<2x320000xi32, #tpu.memory_space<hbm>> -> memref<2x128xi32, #tpu.memory_space<hbm>>
        %dma_wait3A_56 = arith.constant 0 : i32
        %dma_wait3A_57 = arith.constant 9984 : i32
        %dma_wait3A_58 = tpu.memref_slice %arg13[%dma_wait3A_56, %dma_wait3A_57] : memref<2x10112xi32, #tpu.memory_space<vmem>> -> memref<2x128xi32, #tpu.memory_space<vmem>>
        %dma_wait3A_59 = arith.constant 0 : i32
        %dma_wait3A_60 = tpu.memref_slice %arg4[%dma_wait3A_59, %add3A_40] : memref<2x320000xi32, #tpu.memory_space<hbm>> -> memref<2x128xi32, #tpu.memory_space<hbm>>
        tpu.wait_dma2 semaphore(%run_scoped3A : memref<!tpu.dma_semaphore, #tpu.memory_space<semaphore_mem>>) src(%dma_wait3A_60 : memref<2x128xi32, #tpu.memory_space<hbm>>) dst(%dma_wait3A_58 : memref<2x128xi32, #tpu.memory_space<vmem>>)
        tpu.yield
      }) : () -> ()
    } else {
    }
    %broadcast_in_dim3A_31 = arith.constant 1.000000e+00 : f32
    %broadcast_in_dim3A_32 = vector.broadcast %broadcast_in_dim3A_31 : f32 to vector<16xf32>
    %parallel_loop3A_33 = arith.constant 0 : i32
    %parallel_loop3A_34 = arith.constant 9984 : i32
    %parallel_loop3A_35 = arith.constant 16 : i32
    scf.for %parallel_loop3A_39 = %parallel_loop3A_33 to %parallel_loop3A_34 step %parallel_loop3A_35  : i32 {
      %parallel_loop3A_40 = arith.constant 0 : i32
      %parallel_loop3A_41 = arith.index_cast %parallel_loop3A_40 : i32 to index
      %parallel_loop3A_42 = arith.index_cast %parallel_loop3A_39 : i32 to index
      %parallel_loop3A_43 = tpu.vector_load %arg13[%parallel_loop3A_41, %parallel_loop3A_42] {strides = array<i32>} : memref<2x10112xi32, #tpu.memory_space<vmem>>, vector<16xi32>,
      %parallel_loop3A_44 = arith.constant 1 : i32
      %parallel_loop3A_45 = arith.index_cast %parallel_loop3A_44 : i32 to index
      %parallel_loop3A_46 = arith.index_cast %parallel_loop3A_39 : i32 to index
      %parallel_loop3A_47 = tpu.vector_load %arg13[%parallel_loop3A_45, %parallel_loop3A_46] {strides = array<i32>} : memref<2x10112xi32, #tpu.memory_space<vmem>>, vector<16xi32>,
      %parallel_loop3A_48 = tpu.vector_load_idx %arg8[%parallel_loop3A_43] : memref<10000xf32, #tpu.memory_space<vmem>>[vector<16xi32>], vector<16xf32>,
      %parallel_loop3A_49 = tpu.vector_load_idx %arg9[%parallel_loop3A_43] : memref<10000xf32, #tpu.memory_space<vmem>>[vector<16xi32>], vector<16xf32>,
      tpu.vector_store_idx %arg10[%parallel_loop3A_47], %parallel_loop3A_48 {add = true} : memref<10240xf32, #tpu.memory_space<vmem>>[vector<16xi32>], vector<16xf32>,
      tpu.vector_store_idx %arg11[%parallel_loop3A_47], %parallel_loop3A_49 {add = true} : memref<10240xf32, #tpu.memory_space<vmem>>[vector<16xi32>], vector<16xf32>,
      tpu.vector_store_idx %arg12[%parallel_loop3A_47], %broadcast_in_dim3A_32 {add = true} : memref<10240xf32, #tpu.memory_space<vmem>>[vector<16xi32>], vector<16xf32>,
    } {sc.loop_unroll_factor = 8 : i64, sc.parallel_access}
    %convert_element_type3A_36 = arith.extui %ge3A_1 : i1 to i32
    %cond3A_37 = arith.constant 0 : i32
    %cond3A_38 = arith.cmpi ne, %convert_element_type3A_36, %cond3A_37 : i32
    scf.if %cond3A_38 {
      %parallel_loop3A_39 = arith.constant 9984 : i32
      %parallel_loop3A_40 = arith.constant 10112 : i32
      %parallel_loop3A_41 = arith.constant 16 : i32
      scf.for %parallel_loop3A_42 = %parallel_loop3A_39 to %parallel_loop3A_40 step %parallel_loop3A_41  : i32 {
        %parallel_loop3A_43 = arith.constant 0 : i32
        %parallel_loop3A_44 = arith.index_cast %parallel_loop3A_43 : i32 to index
        %parallel_loop3A_45 = arith.index_cast %parallel_loop3A_42 : i32 to index
        %parallel_loop3A_46 = tpu.vector_load %arg13[%parallel_loop3A_44, %parallel_loop3A_45] {strides = array<i32>} : memref<2x10112xi32, #tpu.memory_space<vmem>>, vector<16xi32>,
        %parallel_loop3A_47 = arith.constant 1 : i32
        %parallel_loop3A_48 = arith.index_cast %parallel_loop3A_47 : i32 to index
        %parallel_loop3A_49 = arith.index_cast %parallel_loop3A_42 : i32 to index
        %parallel_loop3A_50 = tpu.vector_load %arg13[%parallel_loop3A_48, %parallel_loop3A_49] {strides = array<i32>} : memref<2x10112xi32, #tpu.memory_space<vmem>>, vector<16xi32>,
        %parallel_loop3A_51 = tpu.vector_load_idx %arg8[%parallel_loop3A_46] : memref<10000xf32, #tpu.memory_space<vmem>>[vector<16xi32>], vector<16xf32>,
        %parallel_loop3A_52 = tpu.vector_load_idx %arg9[%parallel_loop3A_46] : memref<10000xf32, #tpu.memory_space<vmem>>[vector<16xi32>], vector<16xf32>,
        tpu.vector_store_idx %arg10[%parallel_loop3A_50], %parallel_loop3A_51 {add = true} : memref<10240xf32, #tpu.memory_space<vmem>>[vector<16xi32>], vector<16xf32>,
        tpu.vector_store_idx %arg11[%parallel_loop3A_50], %parallel_loop3A_52 {add = true} : memref<10240xf32, #tpu.memory_space<vmem>>[vector<16xi32>], vector<16xf32>,
        tpu.vector_store_idx %arg12[%parallel_loop3A_50], %broadcast_in_dim3A_32 {add = true} : memref<10240xf32, #tpu.memory_space<vmem>>[vector<16xi32>], vector<16xf32>,
      } {sc.loop_unroll_factor = 1 : i64, sc.parallel_access}
    } else {
    }
    "tpu.region"() ({
      %run_scoped3A = tpu.sem_alloc : memref<!tpu.dma_semaphore, #tpu.memory_space<semaphore_mem>>
      %dma_start3A_39 = arith.constant 0 : i32
      %dma_start3A_40 = tpu.memref_slice %arg5[%add3A, %dma_start3A_39] : memref<32x10240xf32, #tpu.memory_space<hbm>> -> memref<1x10240xf32, #tpu.memory_space<hbm>>
      %dma_start3A_41 = tpu.memref_squeeze %dma_start3A_40 : memref<1x10240xf32, #tpu.memory_space<hbm>> -> memref<10240xf32, #tpu.memory_space<hbm>>
      %dma_start3A_42 = arith.constant 0 : i32
      %dma_start3A_43 = tpu.memref_slice %arg5[%add3A, %dma_start3A_42] : memref<32x10240xf32, #tpu.memory_space<hbm>> -> memref<1x10240xf32, #tpu.memory_space<hbm>>
      %dma_start3A_44 = tpu.memref_squeeze %dma_start3A_43 : memref<1x10240xf32, #tpu.memory_space<hbm>> -> memref<10240xf32, #tpu.memory_space<hbm>>
      tpu.enqueue_dma source(%arg10 : memref<10240xf32, #tpu.memory_space<vmem>>) target(%dma_start3A_44 : memref<10240xf32, #tpu.memory_space<hbm>>) target_semaphore(%run_scoped3A : memref<!tpu.dma_semaphore, #tpu.memory_space<semaphore_mem>>)
      %dma_wait3A_45 = arith.constant 0 : i32
      %dma_wait3A_46 = tpu.memref_slice %arg5[%add3A, %dma_wait3A_45] : memref<32x10240xf32, #tpu.memory_space<hbm>> -> memref<1x10240xf32, #tpu.memory_space<hbm>>
      %dma_wait3A_47 = tpu.memref_squeeze %dma_wait3A_46 : memref<1x10240xf32, #tpu.memory_space<hbm>> -> memref<10240xf32, #tpu.memory_space<hbm>>
      %dma_wait3A_48 = arith.constant 0 : i32
      %dma_wait3A_49 = tpu.memref_slice %arg5[%add3A, %dma_wait3A_48] : memref<32x10240xf32, #tpu.memory_space<hbm>> -> memref<1x10240xf32, #tpu.memory_space<hbm>>
      %dma_wait3A_50 = tpu.memref_squeeze %dma_wait3A_49 : memref<1x10240xf32, #tpu.memory_space<hbm>> -> memref<10240xf32, #tpu.memory_space<hbm>>
      tpu.wait_dma2 semaphore(%run_scoped3A : memref<!tpu.dma_semaphore, #tpu.memory_space<semaphore_mem>>) src(%arg10 : memref<10240xf32, #tpu.memory_space<vmem>>) dst(%dma_wait3A_50 : memref<10240xf32, #tpu.memory_space<hbm>>)
      tpu.yield
    }) : () -> ()
    "tpu.region"() ({
      %run_scoped3A = tpu.sem_alloc : memref<!tpu.dma_semaphore, #tpu.memory_space<semaphore_mem>>
      %dma_start3A_39 = arith.constant 0 : i32
      %dma_start3A_40 = tpu.memref_slice %arg6[%add3A, %dma_start3A_39] : memref<32x10240xf32, #tpu.memory_space<hbm>> -> memref<1x10240xf32, #tpu.memory_space<hbm>>
      %dma_start3A_41 = tpu.memref_squeeze %dma_start3A_40 : memref<1x10240xf32, #tpu.memory_space<hbm>> -> memref<10240xf32, #tpu.memory_space<hbm>>
      %dma_start3A_42 = arith.constant 0 : i32
      %dma_start3A_43 = tpu.memref_slice %arg6[%add3A, %dma_start3A_42] : memref<32x10240xf32, #tpu.memory_space<hbm>> -> memref<1x10240xf32, #tpu.memory_space<hbm>>
      %dma_start3A_44 = tpu.memref_squeeze %dma_start3A_43 : memref<1x10240xf32, #tpu.memory_space<hbm>> -> memref<10240xf32, #tpu.memory_space<hbm>>
      tpu.enqueue_dma source(%arg11 : memref<10240xf32, #tpu.memory_space<vmem>>) target(%dma_start3A_44 : memref<10240xf32, #tpu.memory_space<hbm>>) target_semaphore(%run_scoped3A : memref<!tpu.dma_semaphore, #tpu.memory_space<semaphore_mem>>)
      %dma_wait3A_45 = arith.constant 0 : i32
      %dma_wait3A_46 = tpu.memref_slice %arg6[%add3A, %dma_wait3A_45] : memref<32x10240xf32, #tpu.memory_space<hbm>> -> memref<1x10240xf32, #tpu.memory_space<hbm>>
      %dma_wait3A_47 = tpu.memref_squeeze %dma_wait3A_46 : memref<1x10240xf32, #tpu.memory_space<hbm>> -> memref<10240xf32, #tpu.memory_space<hbm>>
      %dma_wait3A_48 = arith.constant 0 : i32
      %dma_wait3A_49 = tpu.memref_slice %arg6[%add3A, %dma_wait3A_48] : memref<32x10240xf32, #tpu.memory_space<hbm>> -> memref<1x10240xf32, #tpu.memory_space<hbm>>
      %dma_wait3A_50 = tpu.memref_squeeze %dma_wait3A_49 : memref<1x10240xf32, #tpu.memory_space<hbm>> -> memref<10240xf32, #tpu.memory_space<hbm>>
      tpu.wait_dma2 semaphore(%run_scoped3A : memref<!tpu.dma_semaphore, #tpu.memory_space<semaphore_mem>>) src(%arg11 : memref<10240xf32, #tpu.memory_space<vmem>>) dst(%dma_wait3A_50 : memref<10240xf32, #tpu.memory_space<hbm>>)
      tpu.yield
    }) : () -> ()
    "tpu.region"() ({
      %run_scoped3A = tpu.sem_alloc : memref<!tpu.dma_semaphore, #tpu.memory_space<semaphore_mem>>
      %dma_start3A_39 = arith.constant 0 : i32
      %dma_start3A_40 = tpu.memref_slice %arg7[%add3A, %dma_start3A_39] : memref<32x10240xf32, #tpu.memory_space<hbm>> -> memref<1x10240xf32, #tpu.memory_space<hbm>>
      %dma_start3A_41 = tpu.memref_squeeze %dma_start3A_40 : memref<1x10240xf32, #tpu.memory_space<hbm>> -> memref<10240xf32, #tpu.memory_space<hbm>>
      %dma_start3A_42 = arith.constant 0 : i32
      %dma_start3A_43 = tpu.memref_slice %arg7[%add3A, %dma_start3A_42] : memref<32x10240xf32, #tpu.memory_space<hbm>> -> memref<1x10240xf32, #tpu.memory_space<hbm>>
      %dma_start3A_44 = tpu.memref_squeeze %dma_start3A_43 : memref<1x10240xf32, #tpu.memory_space<hbm>> -> memref<10240xf32, #tpu.memory_space<hbm>>
      tpu.enqueue_dma source(%arg12 : memref<10240xf32, #tpu.memory_space<vmem>>) target(%dma_start3A_44 : memref<10240xf32, #tpu.memory_space<hbm>>) target_semaphore(%run_scoped3A : memref<!tpu.dma_semaphore, #tpu.memory_space<semaphore_mem>>)
      %dma_wait3A_45 = arith.constant 0 : i32
      %dma_wait3A_46 = tpu.memref_slice %arg7[%add3A, %dma_wait3A_45] : memref<32x10240xf32, #tpu.memory_space<hbm>> -> memref<1x10240xf32, #tpu.memory_space<hbm>>
      %dma_wait3A_47 = tpu.memref_squeeze %dma_wait3A_46 : memref<1x10240xf32, #tpu.memory_space<hbm>> -> memref<10240xf32, #tpu.memory_space<hbm>>
      %dma_wait3A_48 = arith.constant 0 : i32
      %dma_wait3A_49 = tpu.memref_slice %arg7[%add3A, %dma_wait3A_48] : memref<32x10240xf32, #tpu.memory_space<hbm>> -> memref<1x10240xf32, #tpu.memory_space<hbm>>
      %dma_wait3A_50 = tpu.memref_squeeze %dma_wait3A_49 : memref<1x10240xf32, #tpu.memory_space<hbm>> -> memref<10240xf32, #tpu.memory_space<hbm>>
      tpu.wait_dma2 semaphore(%run_scoped3A : memref<!tpu.dma_semaphore, #tpu.memory_space<semaphore_mem>>) src(%arg12 : memref<10240xf32, #tpu.memory_space<vmem>>) dst(%dma_wait3A_50 : memref<10240xf32, #tpu.memory_space<hbm>>)
      tpu.yield
    }) : () -> ()
    return
  }
}

module attributes {stable_mosaic.version = 14 : i64} {
  func.func @_rowsums_body(%arg0: i32, %arg1: memref<5120x128xf32, #tpu.memory_space<vmem>>, %arg2: memref<5120xf32, #tpu.memory_space<vmem>>, %arg3: memref<5120xf32, #tpu.memory_space<vmem>>) attributes {dimension_semantics = [#tpu.dimension_semantics<arbitrary>], iteration_bounds = array<i64: 2>, scalar_prefetch = 0 : i64, scratch_operands = 0 : i64, tpu.core_type = #tpu.core_type<tc>, window_params = [{transform_indices = @transform_0, window_bounds = array<i64: 5120, 128>}, {transform_indices = @transform_1, window_bounds = array<i64: 5120>}, {transform_indices = @transform_2, window_bounds = array<i64: 5120>}]} {
    %get3A = arith.constant 0 : index
    %get3A_0 = arith.constant 0 : index
    %get3A_1 = vector.load %arg1[%get3A, %get3A_0] : memref<5120x128xf32, #tpu.memory_space<vmem>>, vector<5120x128xf32>
    %reduce_sum3A = arith.constant dense<0.000000e+00> : vector<5120xf32>
    %reduce_sum3A_2 = vector.multi_reduction <add>, %get3A_1, %reduce_sum3A [1] : vector<5120x128xf32> to vector<5120xf32>
    %swap3A = arith.constant 0 : index
    %swap3A_3 = vector.load %arg2[%swap3A] : memref<5120xf32, #tpu.memory_space<vmem>>, vector<5120xf32>
    tpu.vector_store %arg2[%swap3A], %reduce_sum3A_2 {strides = array<i32>} : memref<5120xf32, #tpu.memory_space<vmem>>, vector<5120xf32>,
    %mul3A = arith.mulf %get3A_1, %get3A_1 : vector<5120x128xf32>
    %reduce_sum3A_4 = arith.constant dense<0.000000e+00> : vector<5120xf32>
    %reduce_sum3A_5 = vector.multi_reduction <add>, %mul3A, %reduce_sum3A_4 [1] : vector<5120x128xf32> to vector<5120xf32>
    %swap3A_6 = arith.constant 0 : index
    %swap3A_7 = vector.load %arg3[%swap3A_6] : memref<5120xf32, #tpu.memory_space<vmem>>, vector<5120xf32>
    tpu.vector_store %arg3[%swap3A_6], %reduce_sum3A_5 {strides = array<i32>} : memref<5120xf32, #tpu.memory_space<vmem>>, vector<5120xf32>,
    return
  }
  func.func @transform_0(%arg0: i32) -> (i32, i32) {
    %c0_i32 = arith.constant 0 : i32
    %c0_i32_0 = arith.constant 0 : i32
    return %arg0, %c0_i32 : i32, i32
  }
  func.func @transform_1(%arg0: i32) -> i32 {
    %c0_i32 = arith.constant 0 : i32
    return %arg0 : i32
  }
  func.func @transform_2(%arg0: i32) -> i32 {
    %c0_i32 = arith.constant 0 : i32
    return %arg0 : i32
  }
}

module attributes {stable_mosaic.version = 14 : i64} {
  func.func @_norm_body(%arg0: i32, %arg1: memref<5120x128xf32, #tpu.memory_space<vmem>>, %arg2: memref<32x5120xf32, #tpu.memory_space<vmem>>, %arg3: memref<32x5120xf32, #tpu.memory_space<vmem>>, %arg4: memref<32x5120xf32, #tpu.memory_space<vmem>>, %arg5: memref<128xf32, #tpu.memory_space<vmem>>, %arg6: memref<128xf32, #tpu.memory_space<vmem>>, %arg7: memref<5120x128xf32, #tpu.memory_space<vmem>>) attributes {dimension_semantics = [#tpu.dimension_semantics<arbitrary>], iteration_bounds = array<i64: 2>, scalar_prefetch = 0 : i64, scratch_operands = 0 : i64, tpu.core_type = #tpu.core_type<tc>, window_params = [{transform_indices = @transform_0, window_bounds = array<i64: 5120, 128>}, {transform_indices = @transform_1, window_bounds = array<i64: 32, 5120>}, {transform_indices = @transform_2, window_bounds = array<i64: 32, 5120>}, {transform_indices = @transform_3, window_bounds = array<i64: 32, 5120>}, {pipeline_mode = #tpu.pipeline_mode<synchronous>, transform_indices = @transform_4, window_bounds = array<i64: 128>}, {pipeline_mode = #tpu.pipeline_mode<synchronous>, transform_indices = @transform_5, window_bounds = array<i64: 128>}, {transform_indices = @transform_6, window_bounds = array<i64: 5120, 128>}]} {
    %get3A = arith.constant 0 : index
    %get3A_0 = arith.constant 0 : index
    %get3A_1 = vector.load %arg1[%get3A, %get3A_0] : memref<5120x128xf32, #tpu.memory_space<vmem>>, vector<5120x128xf32>
    %broadcast_in_dim3A = arith.constant 1.000000e+00 : f32
    %broadcast_in_dim3A_2 = vector.broadcast %broadcast_in_dim3A : f32 to vector<8x32xf32>
    %get3A_3 = arith.constant 0 : index
    %get3A_4 = arith.constant 0 : index
    %get3A_5 = vector.load %arg2[%get3A_3, %get3A_4] : memref<32x5120xf32, #tpu.memory_space<vmem>>, vector<32x5120xf32>
    %dot_general3A = arith.constant dense<0.000000e+00> : vector<8x5120xf32>
    %dot_general3A_6 = tpu.matmul %broadcast_in_dim3A_2, %get3A_5, %dot_general3A {dimension_numbers = #tpu.dot_dimension_numbers<[1], [0], [0], [1], [0, 0, 1, 1], [], []>, transpose_lhs_hint = false} : vector<8x32xf32>, vector<32x5120xf32>, vector<8x5120xf32> -> vector<8x5120xf32>
    %slice3A = vector.extract_strided_slice %dot_general3A_6 {offsets = [0, 0], sizes = [1, 5120], strides = [1, 1]} : vector<8x5120xf32> to vector<1x5120xf32>
    %squeeze3A = vector.shape_cast %slice3A : vector<1x5120xf32> to vector<5120xf32>
    %get3A_7 = arith.constant 0 : index
    %get3A_8 = arith.constant 0 : index
    %get3A_9 = vector.load %arg3[%get3A_7, %get3A_8] : memref<32x5120xf32, #tpu.memory_space<vmem>>, vector<32x5120xf32>
    %dot_general3A_10 = arith.constant dense<0.000000e+00> : vector<8x5120xf32>
    %dot_general3A_11 = tpu.matmul %broadcast_in_dim3A_2, %get3A_9, %dot_general3A_10 {dimension_numbers = #tpu.dot_dimension_numbers<[1], [0], [0], [1], [0, 0, 1, 1], [], []>, transpose_lhs_hint = false} : vector<8x32xf32>, vector<32x5120xf32>, vector<8x5120xf32> -> vector<8x5120xf32>
    %slice3A_12 = vector.extract_strided_slice %dot_general3A_11 {offsets = [0, 0], sizes = [1, 5120], strides = [1, 1]} : vector<8x5120xf32> to vector<1x5120xf32>
    %squeeze3A_13 = vector.shape_cast %slice3A_12 : vector<1x5120xf32> to vector<5120xf32>
    %get3A_14 = arith.constant 0 : index
    %get3A_15 = arith.constant 0 : index
    %get3A_16 = vector.load %arg4[%get3A_14, %get3A_15] : memref<32x5120xf32, #tpu.memory_space<vmem>>, vector<32x5120xf32>
    %dot_general3A_17 = arith.constant dense<0.000000e+00> : vector<8x5120xf32>
    %dot_general3A_18 = tpu.matmul %broadcast_in_dim3A_2, %get3A_16, %dot_general3A_17 {dimension_numbers = #tpu.dot_dimension_numbers<[1], [0], [0], [1], [0, 0, 1, 1], [], []>, transpose_lhs_hint = false} : vector<8x32xf32>, vector<32x5120xf32>, vector<8x5120xf32> -> vector<8x5120xf32>
    %slice3A_19 = vector.extract_strided_slice %dot_general3A_18 {offsets = [0, 0], sizes = [1, 5120], strides = [1, 1]} : vector<8x5120xf32> to vector<1x5120xf32>
    %squeeze3A_20 = vector.shape_cast %slice3A_19 : vector<1x5120xf32> to vector<5120xf32>
    %reduce_sum3A = arith.constant dense<0.000000e+00> : vector<5120xf32>
    %reduce_sum3A_21 = vector.multi_reduction <add>, %get3A_1, %reduce_sum3A [1] : vector<5120x128xf32> to vector<5120xf32>
    %add3A = arith.addf %squeeze3A, %reduce_sum3A_21 : vector<5120xf32>
    %mul3A = arith.mulf %get3A_1, %get3A_1 : vector<5120x128xf32>
    %reduce_sum3A_22 = arith.constant dense<0.000000e+00> : vector<5120xf32>
    %reduce_sum3A_23 = vector.multi_reduction <add>, %mul3A, %reduce_sum3A_22 [1] : vector<5120x128xf32> to vector<5120xf32>
    %add3A_24 = arith.addf %squeeze3A_13, %reduce_sum3A_23 : vector<5120xf32>
    %add3A_25 = arith.constant 1.000000e+00 : f32
    %add3A_26 = vector.broadcast %add3A_25 : f32 to vector<5120xf32>
    %add3A_27 = arith.addf %squeeze3A_20, %add3A_26 : vector<5120xf32>
    %mul3A_28 = arith.constant 1.280000e+02 : f32
    %mul3A_29 = vector.broadcast %mul3A_28 : f32 to vector<5120xf32>
    %mul3A_30 = arith.mulf %add3A_27, %mul3A_29 : vector<5120xf32>
    %div3A = arith.divf %add3A, %mul3A_30 : vector<5120xf32>
    %mul3A_31 = arith.mulf %mul3A_30, %div3A : vector<5120xf32>
    %mul3A_32 = arith.mulf %mul3A_31, %div3A : vector<5120xf32>
    %sub3A = arith.subf %add3A_24, %mul3A_32 : vector<5120xf32>
    %sub3A_33 = arith.constant 1.000000e+00 : f32
    %sub3A_34 = vector.broadcast %sub3A_33 : f32 to vector<5120xf32>
    %sub3A_35 = arith.subf %mul3A_30, %sub3A_34 : vector<5120xf32>
    %div3A_36 = arith.divf %sub3A, %sub3A_35 : vector<5120xf32>
    %max3A = arith.constant 0.000000e+00 : f32
    %max3A_37 = vector.broadcast %max3A : f32 to vector<5120xf32>
    %max3A_38 = arith.maximumf %div3A_36, %max3A_37 : vector<5120xf32>
    %sqrt3A = math.sqrt %max3A_38 : vector<5120xf32>
    %gt3A = arith.constant 0.000000e+00 : f32
    %gt3A_39 = vector.broadcast %gt3A : f32 to vector<5120xf32>
    %gt3A_40 = arith.cmpf ogt, %squeeze3A_20, %gt3A_39 : vector<5120xf32>
    %jit3A = arith.constant 0.000000e+00 : f32
    %broadcast_in_dim3A_41 = vector.broadcast %jit3A : f32 to vector<5120xf32>
    %select_n3A = arith.select %gt3A_40, %div3A, %broadcast_in_dim3A_41 : vector<5120xi1>, vector<5120xf32>
    %jit3A_42 = arith.constant 0.000000e+00 : f32
    %broadcast_in_dim3A_43 = vector.broadcast %jit3A_42 : f32 to vector<5120xf32>
    %select_n3A_44 = arith.select %gt3A_40, %sqrt3A, %broadcast_in_dim3A_43 : vector<5120xi1>, vector<5120xf32>
    %broadcast_in_dim3A_45 = vector.shape_cast %select_n3A : vector<5120xf32> to vector<5120x1xf32>
    %sub3A_46 = vector.broadcast %broadcast_in_dim3A_45 : vector<5120x1xf32> to vector<5120x128xf32>
    %sub3A_47 = arith.subf %get3A_1, %sub3A_46 : vector<5120x128xf32>
    %broadcast_in_dim3A_48 = vector.shape_cast %select_n3A_44 : vector<5120xf32> to vector<5120x1xf32>
    %add3A_49 = arith.constant 9.99999974E-6 : f32
    %add3A_50 = vector.broadcast %add3A_49 : f32 to vector<5120x1xf32>
    %add3A_51 = arith.addf %broadcast_in_dim3A_48, %add3A_50 : vector<5120x1xf32>
    %div3A_52 = vector.broadcast %add3A_51 : vector<5120x1xf32> to vector<5120x128xf32>
    %div3A_53 = arith.divf %sub3A_47, %div3A_52 : vector<5120x128xf32>
    %get3A_54 = arith.constant 0 : index
    %get3A_55 = vector.load %arg5[%get3A_54] : memref<128xf32, #tpu.memory_space<vmem>>, vector<128xf32>
    %broadcast_in_dim3A_56 = vector.shape_cast %get3A_55 : vector<128xf32> to vector<1x128xf32>
    %mul3A_57 = vector.broadcast %broadcast_in_dim3A_56 : vector<1x128xf32> to vector<5120x128xf32>
    %mul3A_58 = arith.mulf %mul3A_57, %div3A_53 : vector<5120x128xf32>
    %get3A_59 = arith.constant 0 : index
    %get3A_60 = vector.load %arg6[%get3A_59] : memref<128xf32, #tpu.memory_space<vmem>>, vector<128xf32>
    %broadcast_in_dim3A_61 = vector.shape_cast %get3A_60 : vector<128xf32> to vector<1x128xf32>
    %add3A_62 = vector.broadcast %broadcast_in_dim3A_61 : vector<1x128xf32> to vector<5120x128xf32>
    %add3A_63 = arith.addf %mul3A_58, %add3A_62 : vector<5120x128xf32>
    %swap3A = arith.constant 0 : index
    %swap3A_64 = arith.constant 0 : index
    %swap3A_65 = vector.load %arg7[%swap3A, %swap3A_64] : memref<5120x128xf32, #tpu.memory_space<vmem>>, vector<5120x128xf32>
    tpu.vector_store %arg7[%swap3A, %swap3A_64], %add3A_63 {strides = array<i32>} : memref<5120x128xf32, #tpu.memory_space<vmem>>, vector<5120x128xf32>,
    return
  }
  func.func @transform_0(%arg0: i32) -> (i32, i32) {
    %c0_i32 = arith.constant 0 : i32
    %c0_i32_0 = arith.constant 0 : i32
    return %arg0, %c0_i32 : i32, i32
  }
  func.func @transform_1(%arg0: i32) -> (i32, i32) {
    %c0_i32 = arith.constant 0 : i32
    %c0_i32_0 = arith.constant 0 : i32
    return %c0_i32, %arg0 : i32, i32
  }
  func.func @transform_2(%arg0: i32) -> (i32, i32) {
    %c0_i32 = arith.constant 0 : i32
    %c0_i32_0 = arith.constant 0 : i32
    return %c0_i32, %arg0 : i32, i32
  }
  func.func @transform_3(%arg0: i32) -> (i32, i32) {
    %c0_i32 = arith.constant 0 : i32
    %c0_i32_0 = arith.constant 0 : i32
    return %c0_i32, %arg0 : i32, i32
  }
  func.func @transform_4(%arg0: i32) -> i32 {
    %c0_i32 = arith.constant 0 : i32
    %c0_i32_0 = arith.constant 0 : i32
    return %c0_i32 : i32
  }
  func.func @transform_5(%arg0: i32) -> i32 {
    %c0_i32 = arith.constant 0 : i32
    %c0_i32_0 = arith.constant 0 : i32
    return %c0_i32 : i32
  }
  func.func @transform_6(%arg0: i32) -> (i32, i32) {
    %c0_i32 = arith.constant 0 : i32
    %c0_i32_0 = arith.constant 0 : i32
    return %arg0, %c0_i32 : i32, i32
  }
}

</mosaic_0001>

<sc_bundles>
// kernel: kernel.5.cloned.1.call-start
scs
__scs_entry_jumppad:
0x0: {  	(pc) =	sbr.rel $0x88, $3  }
0x1: {  	(tag) =	ssettag $0x0;
	lr =	simm.s32 $0x1  }
0x2: {  	[smem:$0x3F9D] =	sst lr;
	_ =	strace $0xD0000000  }
0x3: {  	_ = 	snop  }
0x4: {  	_ = 	snop  }
0x5: {  	_ = 	snop  }
0x6: {  	_ = 	snop  }
0x7: {  	_ = 	snop  }
__scs_overlays_trampoline_lowered:
0x8: {  	[smem:$0x3FAC] =	sst s0  }
0x9: {  	[smem:$0x3FAD] =	sst s1  }
0xa: {  	[smem:$0x3FAE] =	sst s2  }
0xb: {  	[smem:$0x3FAF] =	sst s3  }
0xc: {  	[smem:$0x3FB0] =	sst s4  }
0xd: {  	[smem:$0x3FB1] =	sst s5  }
0xe: {  	[smem:$0x3FB2] =	sst s6  }
0xf: {  	[smem:$0x3FB3] =	sst s7  }
0x10: {  	[smem:$0x3FB4] =	sst s8  }
0x11: {  	[smem:$0x3FB5] =	sst s9;
	s0 =	simm.s32 @!p0 $0x0  }
0x12: {  	s1 =	sld [smem:$0x3F9B];
	s0 =	simm.s32 @p0 $0x1  }
0x13: {  	[smem:$0x3FB6] =	sst s0;
	s0 =	simm.s32 @!p1 $0x0  }
0x14: {  	s2 =	sld [smem:$0x3F9A];
	s0 =	simm.s32 @p1 $0x1  }
0x15: {  	[smem:$0x3FB7] =	sst s0;
	s0 =	simm.s32 @!p2 $0x0  }
0x16: {  	s3 =	sld [smem:$0x3FDB];
	s0 =	simm.s32 @p2 $0x1  }
0x17: {  	s4 =	simm.s32 $0x1BF5;
	[smem:$0x3FB9] =	sst s0  }
0x18: {  	s0 =	sld [smem:$0x3F9C];
	_ =	swait.ge [sflag:s4], $0x0  }
0x19: {  	s7 =	sld [smem:$0x3F9D]  }
0x1a: {  	s8 =	sadd.s32 $0xFFFFE003, lr  }
0x1b: {  	s9 =	sadd.s32 $0xFFFFFEF7, lr;
	s5 =	simm.s32 $0xFFFFFFFF;
	p2 =	slt.u32 s8, $0xFFFFF086  }
0x1c: {  	p1 =	slt.u32 s9, $0xF7A;
	s5 =	simm.s32 @!p2 $0x0  }
0x1d: {  	s5 =	simm.s32 @p1 $0x1;
	p0 =	seq.s32 s7, s2  }
0x1e: {  	s7 =	smul.u32 @!p0 $0xF7A, s2;
	p2 =	seq.s32 @!p0 s5, $0x0  }
0x1f: {  	s9 =	smul.u32 $0xF7A, s1;
	s8 =	simm.s32 @!p0 $0x1BF5;
	p2 =	por !p2, p0  }
0x20: {  	[sflag:s8] =	ssyncset.s32 @!p0 $0xFFFFF086;
	s6 =	sadd.s32 @!p0 s3, s7;
	s7 =	simm.s32 @!p0 $0x108  }
0x21: {  	s3 =	sadd.s32 s3, s9;
	s6 =	sadd.s32 @!p0 $0x88, s6;
	s7 =	simm.s32 @p2 $0x1082  }
0x22: {  	[simem:s7], [sflag:s8] =	dma.local @!p0 [hbm:s6], $0xF7A  }
0x23: {  	s9 =	sor.u32 $0xD0000000, s2;
	s6 =	simm.s32 $0x108;
	_ =	swait.ge @!p0 [sflag:s8], $0x0  }
0x24: {  	s3 =	sadd.s32 $0x88, s3;
	s6 =	simm.s32 @!p1 $0x1082;
	[sflag:s4] =	ssyncset.s32 $0xFFFFF086  }
0x25: {  	[simem:s6], [sflag:s4] =	dma.local [hbm:s3], $0xF7A  }
0x26: {  	[smem:$0x3F9D] =	sst s1;
	(tag) =	ssettag s2;
	_ =	strace s9  }
0x27: {  	s1 =	sld [smem:$0x3FAD]  }
0x28: {  	s2 =	sld [smem:$0x3FAE]  }
0x29: {  	s4 =	sld [smem:$0x3FB0]  }
0x2a: {  	p0 =	seq.s32 s5, $0x0;
	s5 =	sld [smem:$0x3FB1]  }
0x2b: {  	s6 =	sld [smem:$0x3FB2]  }
0x2c: {  	s7 =	sld [smem:$0x3FB3]  }
0x2d: {  	s3 =	simm.s32 $0x108;
	s8 =	sld [smem:$0x3FB4]  }
0x2e: {  	s3 =	simm.s32 @!p0 $0x1082;
	s9 =	sld [smem:$0x3FB5]  }
0x2f: {  	lr =	sadd.s32 s0, s3;
	s0 =	sld [smem:$0x3FAC]  }
0x30: {  	s3 =	sld [smem:$0x3FAF]  }
0x31: {  	[smem:$0x3FB8] =	sst s10  }
0x32: {  	s10 =	sld [smem:$0x3FB6];
	_ =	sdelay $0x3  }
0x33: {  	p0 =	seq.s32 s10, $0x1;
	s10 =	sld [smem:$0x3FB8];
	_ =	sdelay $0x3  }
0x34: {  	[smem:$0x3FB8] =	sst s10  }
0x35: {  	s10 =	sld [smem:$0x3FB7];
	_ =	sdelay $0x3  }
0x36: {  	p1 =	seq.s32 s10, $0x1;
	s10 =	sld [smem:$0x3FB8];
	_ =	sdelay $0x3  }
0x37: {  	[smem:$0x3FB8] =	sst s10  }
0x38: {  	s10 =	sld [smem:$0x3FB9]  }
0x39: {  	_ = 	snop;
	(pc) =	sbr.ind lr, $3  }
0x3a: {  	_ = 	snop  }
0x3b: {  	_ = 	snop  }
0x3c: {  	p2 =	seq.s32 s10, $0x1;
	s10 =	sld [smem:$0x3FB8]  }
0x3d: {  	_ =	shalt  }
0x3e: {  	_ =	shalt  }
0x3f: {  	_ =	shalt  }
0x40: {  	_ =	shalt  }
0x41: {  	_ =	shalt  }
0x42: {  	_ =	shalt  }
0x43: {  	_ =	shalt  }
0x44: {  	_ =	shalt  }
0x45: {  	_ =	shalt  }
0x46: {  	_ =	shalt  }
0x47: {  	_ =	shalt  }
0x48: {  	_ =	shalt  }
0x49: {  	_ =	shalt  }
0x4a: {  	_ =	shalt  }
0x4b: {  	_ =	shalt  }
0x4c: {  	_ =	shalt  }
0x4d: {  	_ =	shalt  }
0x4e: {  	_ =	shalt  }
0x4f: {  	_ =	shalt  }
0x50: {  	_ =	shalt  }
0x51: {  	_ =	shalt  }
0x52: {  	_ =	shalt  }
0x53: {  	_ =	shalt  }
0x54: {  	_ =	shalt  }
0x55: {  	_ =	shalt  }
0x56: {  	_ =	shalt  }
0x57: {  	_ =	shalt  }
0x58: {  	_ =	shalt  }
0x59: {  	_ =	shalt  }
0x5a: {  	_ =	shalt  }
0x5b: {  	_ =	shalt  }
0x5c: {  	_ =	shalt  }
0x5d: {  	_ =	shalt  }
0x5e: {  	_ =	shalt  }
0x5f: {  	_ =	shalt  }
0x60: {  	_ =	shalt  }
0x61: {  	_ =	shalt  }
0x62: {  	_ =	shalt  }
0x63: {  	_ =	shalt  }
0x64: {  	_ =	shalt  }
0x65: {  	_ =	shalt  }
0x66: {  	_ =	shalt  }
0x67: {  	_ =	shalt  }
0x68: {  	_ =	shalt  }
0x69: {  	_ =	shalt  }
0x6a: {  	_ =	shalt  }
0x6b: {  	_ =	shalt  }
0x6c: {  	_ =	shalt  }
0x6d: {  	_ =	shalt  }
0x6e: {  	_ =	shalt  }
0x6f: {  	_ =	shalt  }
0x70: {  	_ =	shalt  }
0x71: {  	_ =	shalt  }
0x72: {  	_ =	shalt  }
0x73: {  	_ =	shalt  }
0x74: {  	_ =	shalt  }
0x75: {  	_ =	shalt  }
0x76: {  	_ =	shalt  }
0x77: {  	_ =	shalt  }
0x78: {  	_ =	shalt  }
0x79: {  	_ =	shalt  }
0x7a: {  	_ =	shalt  }
0x7b: {  	_ =	shalt  }
0x7c: {  	_ =	shalt  }
0x7d: {  	_ =	shalt  }
0x7e: {  	_ =	shalt  }
0x7f: {  	_ =	shalt  }
0x80: {  	_ =	shalt  }
0x81: {  	_ =	shalt  }
0x82: {  	_ =	shalt  }
0x83: {  	_ =	shalt  }
0x84: {  	_ =	shalt  }
0x85: {  	_ =	shalt  }
0x86: {  	_ =	shalt  }
0x87: {  	_ =	shalt  }
.Lfunc_end0:
.L_simem_size_0:
called_computation_lowered:
.L_overlay_start_0:
0x88: {  	s2 =	sld [smem:$0x3FD9]  }
0x89: {  	s3 =	sld [smem:$0x3FFE];
	_ =	sdelay $0x1  }
0x8a: {  	s1 =	srdreg.scid  }
0x8b: {  	s0 =	sand.u32 $0x1, s1  }
0x8c: {  	s17 =	sshll.u32 s0, $0xA;
	s2 =	sadd.s32 s3, s2  }
0x8d: {  	s2 =	sadd.s32 s2, s17  }
0x8e: {  	[smem:$0x3FC4] =	sst s2  }
0x8f: {  	_ = 	snop  }
0x90: {  	s2 =	sld [smem:$0x3FC8]  }
0x91: {  	s18 =	sld [smem:$0x3FD0];
	(tm) =	ssettm $0x1  }
0x92: {  	s4 =	sld [smem:$0x3FFB];
	_ =	sdelay $0x3  }
0x93: {  	_ =	strace s4  }
0x94: {  	s4 =	sld [smem:$0x3FFC];
	_ =	sdelay $0x3  }
0x95: {  	_ =	strace s4  }
0x96: {  	s4 =	sld [smem:$0x3FFD];
	_ =	sdelay $0x3  }
0x97: {  	_ =	strace s4  }
0x98: {  	_ =	strace $0x8FFFFFFF  }
0x99: {  	s19 =	sld [smem:$0x3FDB];
	_ =	sdelay $0x1  }
0x9a: {  	s5 =	simm.s32 $_scs_section_size  }
0x9b: {  	s6 =	simm.s32 $_size__tile_overlayer_lowered;
	s7 =	simm.s32 $_tile_overlayer_lowered  }
0x9c: {  	s22 =	simm.s32 $0x1BFF;
	s21 =	sshll.u32 s7, $0x1;
	s4 =	sadd.s32 s5, s19  }
0x9d: {  	s8 =	simm.s32 $0x0;
	s20 =	sshll.u32 s6, $0x1;
	s6 =	sadd.s32 s21, s4  }
0x9e: {  	[timem:s8], [sflag:s22] =	dma.local [hbm:s6], s20  }
0x9f: {  	_ =	swait.ge [sflag:s22], s20  }
0xa0: {  	s5 =	ssub.s32 $0x0, s20;
	[sflag:s22] =	ssyncset.done $0x0  }
0xa1: {  	[sflag:s22] =	ssyncadd.s32 s5;
	_ =	sdelay $0x1  }
0xa2: {  	s23 =	simm.s32 $0x1B8B  }
0xa3: {  	_ =	swait.ge [sflag:s23], $0x1  }
0xa4: {  	[sflag:s23] =	ssyncset.done $0x0  }
0xa5: {  	s25 =	simm.s32 $0x1B8E;
	s24 =	sld [smem:$0x3FFE];
	[sflag:s23] =	ssyncadd.s32 $0xFFFFFFFF  }
0xa6: {  	s26 =	simm.s32 $execute0_lowered;
	[smem:$0x3FD2] =	sst s25  }
0xa7: {  	s6 =	sshll.u32 s26, $0x1;
	_ =	strace $0x80000046;
	[dreg:$0x1] =	wrdreg $0xFFFFFFFF  }
0xa8: {  	s28 =	simm.s32 $_size_execute0_lowered;
	s4 =	sadd.s32 s4, s6;
	[dreg:$0x0] =	wrdreg $0x0  }
0xa9: {  	s6 =	sshll.u32 s28, $0x1;
	[dreg:$0x2] =	wrdreg s4  }
0xaa: {  	[dreg:$0x3] =	wrdreg s6  }
0xab: {  	[dreg:$0x4] =	wrdreg $0xC0  }
0xac: {  	_ =	task [dreg:s8], $0x5FFFF  }
0xad: {  	[dreg:$0x1] =	wrdreg $0xFFFFFFFF  }
0xae: {  	[dreg:$0x0] =	wrdreg $0x60  }
0xaf: {  	[dreg:$0x2] =	wrdreg s24  }
0xb0: {  	[dreg:$0x3] =	wrdreg s2  }
0xb1: {  	[dreg:$0x4] =	wrdreg s18  }
0xb2: {  	[dreg:$0x5] =	wrdreg $0x9  }
0xb3: {  	_ =	task.clear_ibuf [dreg:s8], $0x6FFFF;
	_ =	strace $0x90000046  }
0xb4: {  	s29 =	simm.s32 $0x9;
	_ =	strace $0x80000048  }
0xb5: {  	_ =	swait.ge [sflag:s29], $0x1  }
0xb6: {  	[sflag:s29] =	ssyncadd.s32 $0xFFFFFFFF  }
0xb7: {  	_ =	strace $0x90000048  }
0xb8: {  	_ =	sfence  }
0xb9: {  	s30 =	sld [smem:$0x0];
	_ =	sdelay $0x2  }
0xba: {  	s31 =	sshll.u32 s1, $0xD;
	s1 =	sshrl.u32 s1, $0x2  }
0xbb: {  	s3 =	sand.u32 $0x4000, s31;
	s1 =	sadd.s32 s1, s30  }
0xbc: {  	s0 =	sor.u32 s3, s0;
	s1 =	sshll.u32 s1, $0x11  }
0xbd: {  	s0 =	sor.u32 s1, s0  }
0xbe: {  	s0 =	sadd.s32 $0x8F2B, s0  }
0xbf: {  	[sflag:s0] =	ssyncadd.remote.s32 $0x1  }
0xc0: {  	_ =	sfence.sel $0xFFFF  }
0xc1: {  	[dreg:$0x0] =	wrdreg $0xFFFFFFFF;
	(pc) =	sbr.abs _section_cstart, $3  }
0xc2: {  	[dreg:$0x1] =	wrdreg $0xFFFFFFFF  }
0xc3: {  	_ =	task.clear_ibuf [dreg:s8], $0x2FFFF;
	_ =	strace $0x9FFFFFFF  }
0xc4: {  	(tm) =	ssettm $0x7FFFFFFF  }
0xc5: {  	_ =	shalt  }
tec
execute0_lowered:
.L_overlay_start_1:
0x0: {  	(tag) =	ssettag $0x1  }
0x1: {  	s5 =	rddreg [dreg:$0x0]  }
0x2: {  	s7 =	rddreg [dreg:$0x1]  }
0x3: {  	s0 =	srdreg.scid;
	s8 =	rddreg [dreg:$0x2];
	s2 =	simm.s32 $0x0  }
0x4: {  	s15 =	simm.s32 $0x3;
	s16 =	simm.s32 $0x4F00;
	s17 =	simm.s32 $0x7700  }
0x5: {  	s18 =	simm.s32 $0x9F00;
	s19 =	simm.s32 $0x80;
	s6 =	sand.u32 $0x1, s0  }
0x6: {  	s20 =	simm.s32 $0x400;
	s0 =	stileid.u32;
	s1 =	sshll.u32 s6, $0x4  }
0x7: {  	s21 =	simm.s32 $0x4;
	s22 =	simm.s32 $0x0;
	s13 =	sor.u32 s0, s1  }
0x8: {  	[smem:$0x7FF] =	sst s2;
	s29 =	sshll.u32 s0, $0x7;
	s3 =	sshrl.u32 s13, $0x3  }
0x9: {  	s6 =	ssub.s32 $0x2, s6;
	s1 =	rddreg [dreg:$0x3];
	s4 =	smul.u32 $0x14000, s3  }
0xa: {  	_ =	strace $0x80000047;
	s9 =	sand.u32 $0x380, s29;
	s10 =	smul.u32 $0x2780, s13  }
0xb: {  	s30 =	sshrl.u32 s6, $0x1;
	s11 =	smul.u32 $0x2700, s13;
	s9 =	sor.u32 s9, s4  }
0xc: {  	p0 =	sgt.u32 s13, $0x1B;
	s3 =	sadd.s32 $0x2200, s5;
	s9 =	sshrl.u32 s9, $0x3  }
0xd: {  	s4 =	sadd.s32 $0x2800, s5;
	s12 =	sadd.s32 s9, s5;
	s5 =	sadd.s32 $0xFFFFF200, s10  }
0xe: {  	s10 =	ssub.s32 s6, s30;
	s11 =	smov.u32 @p0 s5;
	s5 =	sshll.u32 s5, $0x1  }
.Ltmp0:
0xf: {  	s10 =	smax.u32 s10, $0x1;
	p0 =	slt.u32 s13, $0x1C;
	(pc) =	sbr.rel .LBB2_1-.Ltmp0, $4  }
0x10: {  	s13 =	simm.s32 $0x1;
	s11 =	sshrl.u32 s11, $0x2;
	s14 =	sadd.s32 $0x4E00, s5  }
0x11: {  	s5 =	sadd.s32 s7, s11;
	s31 =	sshrl.u32 s14, $0x3;
	s11 =	simm.s32 $0x2780  }
0x12: {  	s14 =	simm.s32 $0x2;
	s6 =	sadd.s32 s7, s31;
	s7 =	sadd.s32 s8, s9  }
0x13: {  	v0 =	vimm.f32 $0.0e+00;
	v1 =	vimm.f32 $1.000000000e+00;
	s8 =	sadd.s32 $0x2E00, s12;
	s9 =	sadd.s32 $0xCE00, s12;
	s12 =	simm.s32 $0xC700  }
.LBB2_8:
0x14: {  	s23 =	sadd.s32 s23, s26  }
0x15: {  	v6 =	vld [tilespmem:s23+$0x0];
	_ =	sdelay $0x2  }
0x16: {  	v7 =	vld.idx.msk [tilespmem:v3+s2+$0x0], $0xffff  }
0x17: {  	v3 =	vld.idx.msk [tilespmem:v3+s11+$0x0], $0xffff  }
0x18: {  	[tilespmem:v2+s16+$0x0] =	vst.idx.add.f32.msk $0xffff, v4  }
0x19: {  	[tilespmem:v2+s17+$0x0] =	vst.idx.add.f32.msk $0xffff, v5  }
0x1a: {  	[tilespmem:v2+s18+$0x0] =	vst.idx.add.f32.msk $0xffff, v1  }
0x1b: {  	[tilespmem:v6+s16+$0x0] =	vst.idx.add.f32.msk $0xffff, v7  }
0x1c: {  	[tilespmem:v6+s17+$0x0] =	vst.idx.add.f32.msk $0xffff, v3  }
0x1d: {  	[tilespmem:v6+s18+$0x0] =	vst.idx.add.f32.msk $0xffff, v1  }
.LBB2_9:
0x1e: {  	[hbm4b:s7+s19] =	stream.strided.scatter [tilespmem:s16], [sflag:$0x4], $0x2800, s20, s19, $0x38;
	[tilespmem:$0x11600] =	vst v63  }
0x1f: {  	_ =	swait.ge [sflag:s21], $0x2800  }
0x20: {  	[sflag:s21] =	ssyncset.done $0x0  }
0x21: {  	[sflag:s21] =	ssyncadd.s32 $0xFFFFD800  }
0x22: {  	[hbm4b:s8+s19] =	stream.strided.scatter [tilespmem:s17], [sflag:$0x4], $0x2800, s20, s19, $0x38;
	[tilespmem:$0x11600] =	vst v63  }
0x23: {  	s22 =	sadd.s32 $0x1, s22;
	_ =	swait.ge [sflag:s21], $0x2800  }
0x24: {  	p1 =	sne.s32 s22, s10;
	[sflag:s21] =	ssyncset.done $0x0  }
.Ltmp1:
0x25: {  	[sflag:s21] =	ssyncadd.s32 $0xFFFFD800;
	(pc) =	sbr.rel @!p1 .LBB2_10-.Ltmp1, $4  }
0x26: {  	[hbm4b:s9+s19] =	stream.strided.scatter [tilespmem:s18], [sflag:$0x4], $0x2800, s20, s19, $0x38;
	[tilespmem:$0x11600] =	vst v63  }
0x27: {  	_ =	swait.ge [sflag:s21], $0x2800  }
0x28: {  	[sflag:s21] =	ssyncset.done $0x0  }
0x29: {  	[sflag:s21] =	ssyncadd.s32 $0xFFFFD800  }
.LBB2_1:
0x2a: {  	[tilespmem:s2], [sflag:$0x1] =	stream.linear.gather [hbm4b:s3+s2], $0x2780, $0x38;
	[tilespmem:$0x11600] =	vst v63  }
0x2b: {  	_ = 	snop  }
0x2c: {  	[tilespmem:s11], [sflag:$0x2] =	stream.linear.gather [hbm4b:s4+s2], $0x2780, $0x38;
	[tilespmem:$0x11600] =	vst v63  }
0x2d: {  	s24 =	simm.s32 $0x4F10  }
0x2e: {  	[tilespmem:s12], [sflag:$0x3] =	stream.linear.gather [hbm4b:s5+s2], $0x4E00, $0x38;
	[tilespmem:$0x11600] =	vst v63  }
0x2f: {  	[tilespmem:s24+$0xFFFFFFF0] =	vst v0  }
0x30: {  	s23 =	simm.s32 $0x7710;
	[tilespmem:s24+$0x0] =	vst v0  }
0x31: {  	[tilespmem:s23+$0x0] =	vst v0  }
0x32: {  	s24 =	simm.s32 $0x9F10;
	[tilespmem:s23+$0xFFFFFFF0] =	vst v0  }
0x33: {  	s25 =	simm.s32 $0x0;
	s26 =	simm.s32 $0x4F30;
	[tilespmem:s24+$0xFFFFFFF0] =	vst v0  }
.LBB2_2:
0x34: {  	s25 =	sadd.s32 $0x2, s25  }
0x35: {  	[tilespmem:s24+$0x0] =	vst v0;
	s24 =	sadd.s32 $0x20, s24;
	s23 =	sadd.s32 $0x20, s23;
	p1 =	slt.u32 s25, $0x27E  }
.Ltmp2:
0x36: {  	[tilespmem:s26+$0xFFFFFFF0] =	vst v0;
	(pc) =	sbr.rel @p1 .LBB2_2-.Ltmp2, $4  }
0x37: {  	[tilespmem:s26+$0x0] =	vst v0  }
0x38: {  	[tilespmem:s23+$0x0] =	vst v0  }
0x39: {  	[tilespmem:s23+$0xFFFFFFF0] =	vst v0  }
0x3a: {  	s26 =	sadd.s32 $0x20, s26;
	[tilespmem:s24+$0xFFFFFFF0] =	vst v0  }
0x3b: {  	[tilespmem:s24+$0x0] =	vst v0  }
0x3c: {  	_ =	swait.ge [sflag:s13], $0x2780  }
0x3d: {  	[sflag:s13] =	ssyncset.done $0x0  }
0x3e: {  	[sflag:s13] =	ssyncadd.s32 $0xFFFFD880  }
0x3f: {  	_ =	swait.ge [sflag:s14], $0x2780  }
0x40: {  	[sflag:s14] =	ssyncset.done $0x0  }
0x41: {  	[sflag:s14] =	ssyncadd.s32 $0xFFFFD880  }
0x42: {  	_ =	swait.ge [sflag:s15], $0x4E00  }
0x43: {  	[sflag:s15] =	ssyncset.done $0x0  }
0x44: {  	s23 =	simm.s32 @!p0 $0x0;
	s24 =	simm.s32 @!p0 $0x11500;
	[sflag:s15] =	ssyncadd.s32 $0xFFFFB200  }
0x45: {  	[tilespmem:s24], [sflag:$0x4] =	stream.linear.gather @!p0 [hbm4b:s6+s23], $0x100, $0x38;
	[tilespmem:$0x11600] =	vst v63  }
0x46: {  	s23 =	simm.s32 @!p0 $0x4  }
0x47: {  	_ =	swait.ge @!p0 [sflag:s23], $0x100  }
0x48: {  	[sflag:s23] =	ssyncset.done @!p0 $0x0  }
0x49: {  	s31 =	simm.s32 $0xC780;
	[sflag:s23] =	ssyncadd.s32 @!p0 $0xFFFFFF00  }
0x4a: {  	v2 =	vld [tilespmem:s31+$0xFFFFFFF0]  }
0x4b: {  	v3 =	vld [tilespmem:s31+$0xFFFFFF90]  }
0x4c: {  	v4 =	vld [tilespmem:s31+$0xFFFFFFA0]  }
0x4d: {  	v5 =	vld [tilespmem:s31+$0xFFFFFFB0]  }
0x4e: {  	v6 =	vld [tilespmem:s31+$0xFFFFFFC0]  }
0x4f: {  	v7 =	vld [tilespmem:s31+$0xFFFFFFD0]  }
0x50: {  	v8 =	vld [tilespmem:s31+$0x70]  }
0x51: {  	v9 =	vld [tilespmem:s31+$0xFFFFFFE0]  }
0x52: {  	v11 =	vld [tilespmem:s31+$0xFFFFFF80]  }
0x53: {  	v17 =	vld [tilespmem:s31+$0x0]  }
0x54: {  	v18 =	vld [tilespmem:s31+$0x10]  }
0x55: {  	v19 =	vld [tilespmem:s31+$0x20]  }
0x56: {  	v20 =	vld [tilespmem:s31+$0x30]  }
0x57: {  	v21 =	vld [tilespmem:s31+$0x40]  }
0x58: {  	v22 =	vld [tilespmem:s31+$0x50]  }
0x59: {  	v10 =	vld.idx.msk [tilespmem:v2+s2+$0x0], $0xffff  }
0x5a: {  	v2 =	vld.idx.msk [tilespmem:v2+s11+$0x0], $0xffff  }
0x5b: {  	v12 =	vld.idx.msk [tilespmem:v3+s2+$0x0], $0xffff  }
0x5c: {  	v3 =	vld.idx.msk [tilespmem:v3+s11+$0x0], $0xffff  }
0x5d: {  	v13 =	vld.idx.msk [tilespmem:v4+s2+$0x0], $0xffff  }
0x5e: {  	v4 =	vld.idx.msk [tilespmem:v4+s11+$0x0], $0xffff  }
0x5f: {  	v61 =	vld.idx.msk [tilespmem:v11+s2+$0x0], $0xffff  }
0x60: {  	v62 =	vld.idx.msk [tilespmem:v11+s11+$0x0], $0xffff  }
0x61: {  	v63 =	vld.idx.msk [tilespmem:v5+s2+$0x0], $0xffff  }
0x62: {  	v5 =	vld.idx.msk [tilespmem:v5+s11+$0x0], $0xffff  }
0x63: {  	v14 =	vld.idx.msk [tilespmem:v6+s2+$0x0], $0xffff  }
0x64: {  	v6 =	vld.idx.msk [tilespmem:v6+s11+$0x0], $0xffff  }
0x65: {  	v15 =	vld.idx.msk [tilespmem:v7+s2+$0x0], $0xffff  }
0x66: {  	v7 =	vld.idx.msk [tilespmem:v7+s11+$0x0], $0xffff  }
0x67: {  	v16 =	vld.idx.msk [tilespmem:v9+s2+$0x0], $0xffff  }
0x68: {  	v9 =	vld.idx.msk [tilespmem:v9+s11+$0x0], $0xffff  }
0x69: {  	[tilespmem:v8+s16+$0x0] =	vst.idx.add.f32.msk $0xffff, v10  }
0x6a: {  	[tilespmem:v17+s16+$0x0] =	vst.idx.add.f32.msk $0xffff, v61  }
0x6b: {  	[tilespmem:v18+s16+$0x0] =	vst.idx.add.f32.msk $0xffff, v12  }
0x6c: {  	[tilespmem:v19+s16+$0x0] =	vst.idx.add.f32.msk $0xffff, v13  }
0x6d: {  	[tilespmem:v20+s16+$0x0] =	vst.idx.add.f32.msk $0xffff, v63  }
0x6e: {  	[tilespmem:v21+s16+$0x0] =	vst.idx.add.f32.msk $0xffff, v14  }
0x6f: {  	[tilespmem:v22+s16+$0x0] =	vst.idx.add.f32.msk $0xffff, v15  }
0x70: {  	[tilespmem:v8+s17+$0x0] =	vst.idx.add.f32.msk $0xffff, v2  }
0x71: {  	v2 =	vld [tilespmem:s31+$0x60]  }
0x72: {  	[tilespmem:v17+s17+$0x0] =	vst.idx.add.f32.msk $0xffff, v62  }
0x73: {  	[tilespmem:v18+s17+$0x0] =	vst.idx.add.f32.msk $0xffff, v3  }
0x74: {  	[tilespmem:v19+s17+$0x0] =	vst.idx.add.f32.msk $0xffff, v4  }
0x75: {  	[tilespmem:v20+s17+$0x0] =	vst.idx.add.f32.msk $0xffff, v5  }
0x76: {  	[tilespmem:v21+s17+$0x0] =	vst.idx.add.f32.msk $0xffff, v6  }
0x77: {  	[tilespmem:v22+s17+$0x0] =	vst.idx.add.f32.msk $0xffff, v7  }
0x78: {  	[tilespmem:v8+s18+$0x0] =	vst.idx.add.f32.msk $0xffff, v1  }
0x79: {  	[tilespmem:v17+s18+$0x0] =	vst.idx.add.f32.msk $0xffff, v1  }
0x7a: {  	[tilespmem:v18+s18+$0x0] =	vst.idx.add.f32.msk $0xffff, v1  }
0x7b: {  	[tilespmem:v19+s18+$0x0] =	vst.idx.add.f32.msk $0xffff, v1  }
0x7c: {  	[tilespmem:v20+s18+$0x0] =	vst.idx.add.f32.msk $0xffff, v1  }
0x7d: {  	[tilespmem:v21+s18+$0x0] =	vst.idx.add.f32.msk $0xffff, v1  }
0x7e: {  	[tilespmem:v22+s18+$0x0] =	vst.idx.add.f32.msk $0xffff, v1  }
0x7f: {  	[tilespmem:v2+s16+$0x0] =	vst.idx.add.f32.msk $0xffff, v16  }
0x80: {  	s24 =	simm.s32 $0xC880;
	s23 =	simm.s32 $0x0;
	[tilespmem:v2+s17+$0x0] =	vst.idx.add.f32.msk $0xffff, v9  }
.LBB2_4:
0x81: {  	v3 =	vld [tilespmem:s24+$0xFFFFFFF0]  }
0x82: {  	v4 =	vld [tilespmem:s24+$0xFFFFFF90]  }
0x83: {  	s23 =	sadd.s32 $0x80, s23;
	v5 =	vld [tilespmem:s24+$0xFFFFFFA0]  }
0x84: {  	p1 =	slt.u32 s23, $0x2680;
	v6 =	vld [tilespmem:s24+$0xFFFFFFB0]  }
0x85: {  	v7 =	vld [tilespmem:s24+$0xFFFFFFC0]  }
0x86: {  	v8 =	vld [tilespmem:s24+$0xFFFFFFD0]  }
0x87: {  	v9 =	vld [tilespmem:s24+$0x70]  }
0x88: {  	v10 =	vld [tilespmem:s24+$0xFFFFFFE0]  }
0x89: {  	v11 =	vld.idx.msk [tilespmem:v3+s2+$0x0], $0xffff  }
0x8a: {  	v3 =	vld.idx.msk [tilespmem:v3+s11+$0x0], $0xffff  }
0x8b: {  	v12 =	vld [tilespmem:s24+$0xFFFFFF80]  }
0x8c: {  	v13 =	vld.idx.msk [tilespmem:v4+s2+$0x0], $0xffff  }
0x8d: {  	v4 =	vld.idx.msk [tilespmem:v4+s11+$0x0], $0xffff  }
0x8e: {  	v14 =	vld.idx.msk [tilespmem:v5+s2+$0x0], $0xffff  }
0x8f: {  	[tilespmem:v9+s16+$0x0] =	vst.idx.add.f32.msk $0xffff, v11  }
0x90: {  	[tilespmem:v9+s17+$0x0] =	vst.idx.add.f32.msk $0xffff, v3  }
0x91: {  	[tilespmem:v9+s18+$0x0] =	vst.idx.add.f32.msk $0xffff, v1  }
0x92: {  	v3 =	vld.idx.msk [tilespmem:v5+s11+$0x0], $0xffff  }
0x93: {  	v5 =	vld.idx.msk [tilespmem:v12+s2+$0x0], $0xffff  }
0x94: {  	v9 =	vld.idx.msk [tilespmem:v12+s11+$0x0], $0xffff  }
0x95: {  	v11 =	vld.idx.msk [tilespmem:v6+s2+$0x0], $0xffff  }
0x96: {  	v6 =	vld.idx.msk [tilespmem:v6+s11+$0x0], $0xffff  }
0x97: {  	v12 =	vld.idx.msk [tilespmem:v7+s2+$0x0], $0xffff  }
0x98: {  	v7 =	vld.idx.msk [tilespmem:v7+s11+$0x0], $0xffff  }
0x99: {  	v15 =	vld.idx.msk [tilespmem:v8+s2+$0x0], $0xffff  }
0x9a: {  	v8 =	vld.idx.msk [tilespmem:v8+s11+$0x0], $0xffff  }
0x9b: {  	v16 =	vld.idx.msk [tilespmem:v10+s2+$0x0], $0xffff  }
0x9c: {  	v10 =	vld.idx.msk [tilespmem:v10+s11+$0x0], $0xffff  }
0x9d: {  	v17 =	vld [tilespmem:s24+$0x0]  }
0x9e: {  	v18 =	vld [tilespmem:s24+$0x10]  }
0x9f: {  	v19 =	vld [tilespmem:s24+$0x20]  }
0xa0: {  	v20 =	vld [tilespmem:s24+$0x30]  }
0xa1: {  	v21 =	vld [tilespmem:s24+$0x40]  }
0xa2: {  	v22 =	vld [tilespmem:s24+$0x50]  }
0xa3: {  	v23 =	vld [tilespmem:s24+$0x60]  }
0xa4: {  	[tilespmem:v2+s18+$0x0] =	vst.idx.add.f32.msk $0xffff, v1  }
0xa5: {  	[tilespmem:v17+s16+$0x0] =	vst.idx.add.f32.msk $0xffff, v5  }
0xa6: {  	[tilespmem:v17+s17+$0x0] =	vst.idx.add.f32.msk $0xffff, v9  }
0xa7: {  	[tilespmem:v17+s18+$0x0] =	vst.idx.add.f32.msk $0xffff, v1  }
0xa8: {  	[tilespmem:v18+s16+$0x0] =	vst.idx.add.f32.msk $0xffff, v13;
	v2 =	vmov v23  }
0xa9: {  	[tilespmem:v18+s17+$0x0] =	vst.idx.add.f32.msk $0xffff, v4  }
0xaa: {  	[tilespmem:v18+s18+$0x0] =	vst.idx.add.f32.msk $0xffff, v1  }
0xab: {  	[tilespmem:v19+s16+$0x0] =	vst.idx.add.f32.msk $0xffff, v14  }
0xac: {  	[tilespmem:v19+s17+$0x0] =	vst.idx.add.f32.msk $0xffff, v3  }
0xad: {  	[tilespmem:v19+s18+$0x0] =	vst.idx.add.f32.msk $0xffff, v1  }
0xae: {  	[tilespmem:v20+s16+$0x0] =	vst.idx.add.f32.msk $0xffff, v11  }
0xaf: {  	[tilespmem:v20+s17+$0x0] =	vst.idx.add.f32.msk $0xffff, v6  }
0xb0: {  	[tilespmem:v20+s18+$0x0] =	vst.idx.add.f32.msk $0xffff, v1  }
0xb1: {  	[tilespmem:v21+s16+$0x0] =	vst.idx.add.f32.msk $0xffff, v12  }
0xb2: {  	[tilespmem:v21+s17+$0x0] =	vst.idx.add.f32.msk $0xffff, v7  }
0xb3: {  	[tilespmem:v21+s18+$0x0] =	vst.idx.add.f32.msk $0xffff, v1  }
.Ltmp3:
0xb4: {  	[tilespmem:v22+s16+$0x0] =	vst.idx.add.f32.msk $0xffff, v15;
	(pc) =	sbr.rel @p1 .LBB2_4-.Ltmp3, $4  }
0xb5: {  	[tilespmem:v22+s17+$0x0] =	vst.idx.add.f32.msk $0xffff, v8  }
0xb6: {  	[tilespmem:v22+s18+$0x0] =	vst.idx.add.f32.msk $0xffff, v1  }
0xb7: {  	[tilespmem:v23+s16+$0x0] =	vst.idx.add.f32.msk $0xffff, v16  }
0xb8: {  	s24 =	sadd.s32 $0x100, s24;
	[tilespmem:v23+s17+$0x0] =	vst.idx.add.f32.msk $0xffff, v10  }
.Ltmp4:
0xb9: {  	_ = 	snop;
	(pc) =	sbr.rel @p0 .LBB2_9-.Ltmp4, $2  }
0xba: {  	_ =	sdelay $0x2  }
0xbb: {  	[tilespmem:v2+s18+$0x0] =	vst.idx.add.f32.msk $0xffff, v1  }
0xbc: {  	s23 =	simm.s32 $0x4E00  }
0xbd: {  	s24 =	sand.u32 $0x3FFFFF00, s23  }
0xbe: {  	s23 =	sadd.s32 $0xC700, s24  }
0xbf: {  	v5 =	vld [tilespmem:s23+$0x0];
	_ =	sdelay $0x3  }
0xc0: {  	s31 =	simm.s32 $0x4E20;
	s24 =	sadd.s32 $0xC780, s24  }
0xc1: {  	s23 =	sand.u32 $0x3FFFFF00, s31;
	v2 =	vld [tilespmem:s24+$0x0]  }
0xc2: {  	s25 =	sadd.s32 $0xC710, s23  }
0xc3: {  	v3 =	vld [tilespmem:s25+$0x0]  }
0xc4: {  	s28 =	simm.s32 $0x4E40;
	v4 =	vld.idx.msk [tilespmem:v5+s2+$0x0], $0xffff  }
0xc5: {  	s26 =	simm.s32 $0xC790;
	s24 =	simm.s32 $0xC710;
	s25 =	simm.s32 $0x2710;
	v5 =	vld.idx.msk [tilespmem:v5+s11+$0x0], $0xffff  }
.LBB2_7:
0xc6: {  	s29 =	sadd.s32 s23, s26;
	s23 =	sand.u32 $0x3FFFFF00, s28;
	s24 =	sadd.s32 $0x10, s24  }
0xc7: {  	s30 =	sadd.s32 s23, s24;
	v6 =	vld [tilespmem:s29+$0x0]  }
0xc8: {  	s25 =	sadd.s32 $0x10, s25;
	v7 =	vld [tilespmem:s30+$0x0]  }
0xc9: {  	p1 =	slt.u32 s25, $0x2770;
	[tilespmem:v2+s16+$0x0] =	vst.idx.add.f32.msk $0xffff, v4  }
.Ltmp5:
0xca: {  	[tilespmem:v2+s17+$0x0] =	vst.idx.add.f32.msk $0xffff, v5;
	(pc) =	sbr.rel @p1 .LBB2_7-.Ltmp5, $4  }
0xcb: {  	[tilespmem:v2+s18+$0x0] =	vst.idx.add.f32.msk $0xffff, v1  }
0xcc: {  	v4 =	vld.idx.msk [tilespmem:v3+s2+$0x0], $0xffff;
	v2 =	vmov v6  }
0xcd: {  	v5 =	vld.idx.msk [tilespmem:v3+s11+$0x0], $0xffff;
	v3 =	vmov v7  }
0xce: {  	s28 =	sadd.s32 $0x20, s28;
	s26 =	sadd.s32 $0x10, s26  }
.Ltmp6:
0xcf: {  	_ = 	snop;
	(pc) =	sbr.rel .LBB2_8-.Ltmp6, $1  }
0xd0: {  	_ =	sdelay $0x3  }
.LBB2_10:
0xd1: {  	_ =	sfence.sel $0x180000  }
0xd2: {  	[bflag:$0x0] =	sbarrier.arrive $0xFFFF  }
0xd3: {  	p0 =	sne.s32 s0, $0x0;
	_ =	strace $0x90000047  }
0xd4: {  	s0 =	sadd.s32 @!p0 $0x100000, s1;
	[bflag:$0x2] =	sbarrier.arrive $0xFFFF  }
0xd5: {  	[sflag:s0] =	ssyncadd.tile.s32 @!p0 $0x1;
	_ =	shalt  }
.Lfunc_end2:
_tile_overlayer_lowered:
.L_overlay_start_2:
0xd6: {  	(tag) =	ssettag $0x2  }
0xd7: {  	s0 =	rddreg [dreg:$0x0];
	s2 =	stileid.u32  }
0xd8: {  	s1 =	rddreg [dreg:$0x1];
	p0 =	sne.s32 s2, $0x0  }
0xd9: {  	s3 =	rddreg [dreg:$0x2];
	[bflag:$0x3] =	sbarrier.arrive $0xFFFF;
	s2 =	simm.s32 @!p0 $0x1C04  }
0xda: {  	[timem:s3], [sflag:s2] =	dma.local @!p0 [hbm:s0], s1  }
0xdb: {  	s0 =	simm.s32 @!p0 $0x4  }
0xdc: {  	_ =	swait.ge @!p0 [sflag:s0], s1  }
0xdd: {  	s1 =	ssub.s32 @!p0 $0x0, s1;
	[sflag:s0] =	ssyncset.done @!p0 $0x0  }
0xde: {  	[sflag:s0] =	ssyncadd.s32 @!p0 s1  }
0xdf: {  	[bflag:$0x3] =	sbarrier.arrive $0xFFFF  }
0xe0: {  	_ =	shalt  }

</sc_bundles>
